<compile_context>
chip_gen: v7x
topology: tpu7x:2x2x1
jax: 0.10.2.dev20260603
libtpu: 0.0.44.dev20260713+nightly
codegen_flags: <defaults>
</compile_context>

<pallas_src>
import functools

import jax
import jax.numpy as jnp
from jax import lax
from jax.experimental import pallas as pl
from jax.experimental.pallas import tpu as pltpu
from jax.experimental.pallas import tpu_sc as plsc

_CAPACITY = 1000000
_XDIM = 64
_BSZ = 16384

_NC = 2
_NS = 16
_NW = _NC * _NS
_BPW = _BSZ // _NW
_CHUNK = 128
_NCH = _BPW // _CHUNK


@functools.partial(
    pl.kernel,
    mesh=plsc.VectorSubcoreMesh(core_axis_name="c", subcore_axis_name="s"),
    compiler_params=pltpu.CompilerParams(use_tc_tiling_on_sc=False),
    out_type=(
        jax.ShapeDtypeStruct((_BSZ, _XDIM), jnp.float32),
        jax.ShapeDtypeStruct((_BSZ,), jnp.int32),
    ),
    scratch_types=[
        pltpu.VMEM((_NCH, _CHUNK), jnp.int32),
        pltpu.VMEM((_BPW, _XDIM), jnp.float32),
        pltpu.VMEM((_BPW,), jnp.int32),
        pltpu.SemaphoreType.DMA,
        pltpu.SemaphoreType.DMA,
    ],
)
def _fetch(mx_hbm, my_hbm, idx_hbm, outx_hbm, outy_hbm,
           idx_v, rows_v, lab_v, sem_x, sem_y):
    wid = lax.axis_index("s") * _NC + lax.axis_index("c")
    base_i = wid * _BPW
    for j in range(_NCH):
        pltpu.sync_copy(idx_hbm.at[pl.ds(base_i + j * _CHUNK, _CHUNK)],
                        idx_v.at[j])
    copies = []
    for j in range(_NCH):
        copies.append(pltpu.async_copy(
            mx_hbm.at[idx_v.at[j]],
            rows_v.at[pl.ds(j * _CHUNK, _CHUNK)], sem_x))
        copies.append(pltpu.async_copy(
            my_hbm.at[idx_v.at[j]],
            lab_v.at[pl.ds(j * _CHUNK, _CHUNK)], sem_y))
    for c in copies:
        c.wait()
    base = wid * _BPW
    pltpu.sync_copy(rows_v, outx_hbm.at[pl.ds(base, _BPW)])
    pltpu.sync_copy(lab_v, outy_hbm.at[pl.ds(base, _BPW)])


def kernel(inputs, idx, mems_x, mems_y):
    del inputs
    return _fetch(mems_x, mems_y, idx)

# --- scband reference (transcript-rebuilt; emitter-appended) ---
"""Pipeline reference for scband-random-memory-11888469475677 (READ-ONLY COPY).

The authoritative reference and input builder live on the scoring server;
editing this copy changes nothing except your own understanding.
"""

import jax, jax.numpy as jnp
import numpy as np

CAPACITY = 1000000
XDIM = 64
BSZ = 16384


def setup_inputs(seed: int = 0) -> dict:
    key = jax.random.key(seed)
    k1, k2, k3, k4 = jax.random.split(key, 4)
    # forward arg: the query batch (only its batch-size is used by fetch, but we keep it faithful)
    inputs = jax.random.normal(k1, (BSZ, XDIM), dtype=jnp.float32)
    # the random indices that np.random.choice(length, bsz) would have produced
    # (memory assumed full, so length == capacity)
    idx = jax.random.randint(k2, (BSZ,), 0, CAPACITY, dtype=jnp.int32)
    # learned/buffer state: mems_x (float memory) and mems_y (label memory)
    mems_x = jax.random.normal(k3, (CAPACITY, XDIM), dtype=jnp.float32)
    mems_y = jax.random.randint(k4, (CAPACITY,), 0, 1000, dtype=jnp.int32)
    return {"inputs": inputs, "idx": idx, "mems_x": mems_x, "mems_y": mems_y}


def reference(inputs, idx, mems_x, mems_y):
    # RandomMemory.fetch: memory is full, length == capacity.
    # Original loops over np.random.choice(length, bsz) doing row gathers and
    # concatenating; this is exactly a batched row-gather from each memory table.
    res_x = jnp.take(mems_x, idx, axis=0)   # [BSZ, XDIM]
    res_y = jnp.take(mems_y, idx, axis=0)   # [BSZ]
    return (res_x, res_y)

if __name__ == "__main__":
    import jax
    _d = setup_inputs()
    print(jax.jit(kernel)(*tuple(_d.values())))

</pallas_src>

<mosaic_0001>
#map = affine_map<(d0, d1) -> (0, 0)>
#map1 = affine_map<(d0, d1) -> (0)>
module attributes {stable_mosaic.version = 14 : i64} {
  func.func @_fetch(%arg0: i32, %arg1: i32, %arg2: memref<1000000x64xf32, #tpu.memory_space<hbm>>, %arg3: memref<1000000xi32, #tpu.memory_space<hbm>>, %arg4: memref<16384xi32, #tpu.memory_space<hbm>>, %arg5: memref<16384x64xf32, #tpu.memory_space<hbm>>, %arg6: memref<16384xi32, #tpu.memory_space<hbm>>, %arg7: memref<4x128xi32, #tpu.memory_space<vmem>>, %arg8: memref<512x64xf32, #tpu.memory_space<vmem>>, %arg9: memref<512xi32, #tpu.memory_space<vmem>>, %arg10: memref<!tpu.dma_semaphore, #tpu.memory_space<semaphore_mem>>, %arg11: memref<!tpu.dma_semaphore, #tpu.memory_space<semaphore_mem>>) attributes {dimension_semantics = [#tpu.dimension_semantics<core_parallel>, #tpu.dimension_semantics<subcore_parallel>], iteration_bounds = array<i64: 2, 16>, scalar_prefetch = 0 : i64, scratch_operands = 5 : i64, tpu.core_type = #tpu.core_type<sc_vector_subcore>, window_params = [{transform_indices = #map}, {transform_indices = #map1}, {transform_indices = #map1}, {transform_indices = #map}, {transform_indices = #map1}]} {
    %mul3A = arith.constant 2 : i32
    %mul3A_0 = arith.muli %arg1, %mul3A : i32
    %add3A = arith.addi %mul3A_0, %arg0 : i32
    %mul3A_1 = arith.constant 512 : i32
    %mul3A_2 = arith.muli %add3A, %mul3A_1 : i32
    %add3A_3 = arith.constant 0 : i32
    %add3A_4 = arith.addi %mul3A_2, %add3A_3 : i32
    %run_scoped3A = arith.constant 0 : i32
    "tpu.region"() ({
      %run_scoped3A_158 = tpu.sem_alloc : memref<!tpu.dma_semaphore, #tpu.memory_space<semaphore_mem>>
      %dma_start3A_159 = arith.constant 0 : i32
      %dma_start3A_160 = tpu.memref_slice %arg7[%run_scoped3A, %dma_start3A_159] : memref<4x128xi32, #tpu.memory_space<vmem>> -> memref<1x128xi32, #tpu.memory_space<vmem>>
      %dma_start3A_161 = tpu.memref_squeeze %dma_start3A_160 : memref<1x128xi32, #tpu.memory_space<vmem>> -> memref<128xi32, #tpu.memory_space<vmem>>
      %dma_start3A_162 = tpu.memref_slice %arg4[%add3A_4] : memref<16384xi32, #tpu.memory_space<hbm>> -> memref<128xi32, #tpu.memory_space<hbm>>
      %dma_start3A_163 = arith.constant 0 : i32
      %dma_start3A_164 = tpu.memref_slice %arg7[%run_scoped3A, %dma_start3A_163] : memref<4x128xi32, #tpu.memory_space<vmem>> -> memref<1x128xi32, #tpu.memory_space<vmem>>
      %dma_start3A_165 = tpu.memref_squeeze %dma_start3A_164 : memref<1x128xi32, #tpu.memory_space<vmem>> -> memref<128xi32, #tpu.memory_space<vmem>>
      %dma_start3A_166 = tpu.memref_slice %arg4[%add3A_4] : memref<16384xi32, #tpu.memory_space<hbm>> -> memref<128xi32, #tpu.memory_space<hbm>>
      tpu.enqueue_dma source(%dma_start3A_166 : memref<128xi32, #tpu.memory_space<hbm>>) target(%dma_start3A_165 : memref<128xi32, #tpu.memory_space<vmem>>) target_semaphore(%run_scoped3A_158 : memref<!tpu.dma_semaphore, #tpu.memory_space<semaphore_mem>>)
      %dma_wait3A_167 = arith.constant 0 : i32
      %dma_wait3A_168 = tpu.memref_slice %arg7[%run_scoped3A, %dma_wait3A_167] : memref<4x128xi32, #tpu.memory_space<vmem>> -> memref<1x128xi32, #tpu.memory_space<vmem>>
      %dma_wait3A_169 = tpu.memref_squeeze %dma_wait3A_168 : memref<1x128xi32, #tpu.memory_space<vmem>> -> memref<128xi32, #tpu.memory_space<vmem>>
      %dma_wait3A_170 = tpu.memref_slice %arg4[%add3A_4] : memref<16384xi32, #tpu.memory_space<hbm>> -> memref<128xi32, #tpu.memory_space<hbm>>
      %dma_wait3A_171 = arith.constant 0 : i32
      %dma_wait3A_172 = tpu.memref_slice %arg7[%run_scoped3A, %dma_wait3A_171] : memref<4x128xi32, #tpu.memory_space<vmem>> -> memref<1x128xi32, #tpu.memory_space<vmem>>
      %dma_wait3A_173 = tpu.memref_squeeze %dma_wait3A_172 : memref<1x128xi32, #tpu.memory_space<vmem>> -> memref<128xi32, #tpu.memory_space<vmem>>
      %dma_wait3A_174 = tpu.memref_slice %arg4[%add3A_4] : memref<16384xi32, #tpu.memory_space<hbm>> -> memref<128xi32, #tpu.memory_space<hbm>>
      tpu.wait_dma2 semaphore(%run_scoped3A_158 : memref<!tpu.dma_semaphore, #tpu.memory_space<semaphore_mem>>) src(%dma_wait3A_174 : memref<128xi32, #tpu.memory_space<hbm>>) dst(%dma_wait3A_173 : memref<128xi32, #tpu.memory_space<vmem>>)
      tpu.yield
    }) : () -> ()
    %add3A_5 = arith.constant 128 : i32
    %add3A_6 = arith.addi %mul3A_2, %add3A_5 : i32
    %run_scoped3A_7 = arith.constant 1 : i32
    "tpu.region"() ({
      %run_scoped3A_158 = tpu.sem_alloc : memref<!tpu.dma_semaphore, #tpu.memory_space<semaphore_mem>>
      %dma_start3A_159 = arith.constant 0 : i32
      %dma_start3A_160 = tpu.memref_slice %arg7[%run_scoped3A_7, %dma_start3A_159] : memref<4x128xi32, #tpu.memory_space<vmem>> -> memref<1x128xi32, #tpu.memory_space<vmem>>
      %dma_start3A_161 = tpu.memref_squeeze %dma_start3A_160 : memref<1x128xi32, #tpu.memory_space<vmem>> -> memref<128xi32, #tpu.memory_space<vmem>>
      %dma_start3A_162 = tpu.memref_slice %arg4[%add3A_6] : memref<16384xi32, #tpu.memory_space<hbm>> -> memref<128xi32, #tpu.memory_space<hbm>>
      %dma_start3A_163 = arith.constant 0 : i32
      %dma_start3A_164 = tpu.memref_slice %arg7[%run_scoped3A_7, %dma_start3A_163] : memref<4x128xi32, #tpu.memory_space<vmem>> -> memref<1x128xi32, #tpu.memory_space<vmem>>
      %dma_start3A_165 = tpu.memref_squeeze %dma_start3A_164 : memref<1x128xi32, #tpu.memory_space<vmem>> -> memref<128xi32, #tpu.memory_space<vmem>>
      %dma_start3A_166 = tpu.memref_slice %arg4[%add3A_6] : memref<16384xi32, #tpu.memory_space<hbm>> -> memref<128xi32, #tpu.memory_space<hbm>>
      tpu.enqueue_dma source(%dma_start3A_166 : memref<128xi32, #tpu.memory_space<hbm>>) target(%dma_start3A_165 : memref<128xi32, #tpu.memory_space<vmem>>) target_semaphore(%run_scoped3A_158 : memref<!tpu.dma_semaphore, #tpu.memory_space<semaphore_mem>>)
      %dma_wait3A_167 = arith.constant 0 : i32
      %dma_wait3A_168 = tpu.memref_slice %arg7[%run_scoped3A_7, %dma_wait3A_167] : memref<4x128xi32, #tpu.memory_space<vmem>> -> memref<1x128xi32, #tpu.memory_space<vmem>>
      %dma_wait3A_169 = tpu.memref_squeeze %dma_wait3A_168 : memref<1x128xi32, #tpu.memory_space<vmem>> -> memref<128xi32, #tpu.memory_space<vmem>>
      %dma_wait3A_170 = tpu.memref_slice %arg4[%add3A_6] : memref<16384xi32, #tpu.memory_space<hbm>> -> memref<128xi32, #tpu.memory_space<hbm>>
      %dma_wait3A_171 = arith.constant 0 : i32
      %dma_wait3A_172 = tpu.memref_slice %arg7[%run_scoped3A_7, %dma_wait3A_171] : memref<4x128xi32, #tpu.memory_space<vmem>> -> memref<1x128xi32, #tpu.memory_space<vmem>>
      %dma_wait3A_173 = tpu.memref_squeeze %dma_wait3A_172 : memref<1x128xi32, #tpu.memory_space<vmem>> -> memref<128xi32, #tpu.memory_space<vmem>>
      %dma_wait3A_174 = tpu.memref_slice %arg4[%add3A_6] : memref<16384xi32, #tpu.memory_space<hbm>> -> memref<128xi32, #tpu.memory_space<hbm>>
      tpu.wait_dma2 semaphore(%run_scoped3A_158 : memref<!tpu.dma_semaphore, #tpu.memory_space<semaphore_mem>>) src(%dma_wait3A_174 : memref<128xi32, #tpu.memory_space<hbm>>) dst(%dma_wait3A_173 : memref<128xi32, #tpu.memory_space<vmem>>)
      tpu.yield
    }) : () -> ()
    %add3A_8 = arith.constant 256 : i32
    %add3A_9 = arith.addi %mul3A_2, %add3A_8 : i32
    %run_scoped3A_10 = arith.constant 2 : i32
    "tpu.region"() ({
      %run_scoped3A_158 = tpu.sem_alloc : memref<!tpu.dma_semaphore, #tpu.memory_space<semaphore_mem>>
      %dma_start3A_159 = arith.constant 0 : i32
      %dma_start3A_160 = tpu.memref_slice %arg7[%run_scoped3A_10, %dma_start3A_159] : memref<4x128xi32, #tpu.memory_space<vmem>> -> memref<1x128xi32, #tpu.memory_space<vmem>>
      %dma_start3A_161 = tpu.memref_squeeze %dma_start3A_160 : memref<1x128xi32, #tpu.memory_space<vmem>> -> memref<128xi32, #tpu.memory_space<vmem>>
      %dma_start3A_162 = tpu.memref_slice %arg4[%add3A_9] : memref<16384xi32, #tpu.memory_space<hbm>> -> memref<128xi32, #tpu.memory_space<hbm>>
      %dma_start3A_163 = arith.constant 0 : i32
      %dma_start3A_164 = tpu.memref_slice %arg7[%run_scoped3A_10, %dma_start3A_163] : memref<4x128xi32, #tpu.memory_space<vmem>> -> memref<1x128xi32, #tpu.memory_space<vmem>>
      %dma_start3A_165 = tpu.memref_squeeze %dma_start3A_164 : memref<1x128xi32, #tpu.memory_space<vmem>> -> memref<128xi32, #tpu.memory_space<vmem>>
      %dma_start3A_166 = tpu.memref_slice %arg4[%add3A_9] : memref<16384xi32, #tpu.memory_space<hbm>> -> memref<128xi32, #tpu.memory_space<hbm>>
      tpu.enqueue_dma source(%dma_start3A_166 : memref<128xi32, #tpu.memory_space<hbm>>) target(%dma_start3A_165 : memref<128xi32, #tpu.memory_space<vmem>>) target_semaphore(%run_scoped3A_158 : memref<!tpu.dma_semaphore, #tpu.memory_space<semaphore_mem>>)
      %dma_wait3A_167 = arith.constant 0 : i32
      %dma_wait3A_168 = tpu.memref_slice %arg7[%run_scoped3A_10, %dma_wait3A_167] : memref<4x128xi32, #tpu.memory_space<vmem>> -> memref<1x128xi32, #tpu.memory_space<vmem>>
      %dma_wait3A_169 = tpu.memref_squeeze %dma_wait3A_168 : memref<1x128xi32, #tpu.memory_space<vmem>> -> memref<128xi32, #tpu.memory_space<vmem>>
      %dma_wait3A_170 = tpu.memref_slice %arg4[%add3A_9] : memref<16384xi32, #tpu.memory_space<hbm>> -> memref<128xi32, #tpu.memory_space<hbm>>
      %dma_wait3A_171 = arith.constant 0 : i32
      %dma_wait3A_172 = tpu.memref_slice %arg7[%run_scoped3A_10, %dma_wait3A_171] : memref<4x128xi32, #tpu.memory_space<vmem>> -> memref<1x128xi32, #tpu.memory_space<vmem>>
      %dma_wait3A_173 = tpu.memref_squeeze %dma_wait3A_172 : memref<1x128xi32, #tpu.memory_space<vmem>> -> memref<128xi32, #tpu.memory_space<vmem>>
      %dma_wait3A_174 = tpu.memref_slice %arg4[%add3A_9] : memref<16384xi32, #tpu.memory_space<hbm>> -> memref<128xi32, #tpu.memory_space<hbm>>
      tpu.wait_dma2 semaphore(%run_scoped3A_158 : memref<!tpu.dma_semaphore, #tpu.memory_space<semaphore_mem>>) src(%dma_wait3A_174 : memref<128xi32, #tpu.memory_space<hbm>>) dst(%dma_wait3A_173 : memref<128xi32, #tpu.memory_space<vmem>>)
      tpu.yield
    }) : () -> ()
    %add3A_11 = arith.constant 384 : i32
    %add3A_12 = arith.addi %mul3A_2, %add3A_11 : i32
    %run_scoped3A_13 = arith.constant 3 : i32
    "tpu.region"() ({
      %run_scoped3A_158 = tpu.sem_alloc : memref<!tpu.dma_semaphore, #tpu.memory_space<semaphore_mem>>
      %dma_start3A_159 = arith.constant 0 : i32
      %dma_start3A_160 = tpu.memref_slice %arg7[%run_scoped3A_13, %dma_start3A_159] : memref<4x128xi32, #tpu.memory_space<vmem>> -> memref<1x128xi32, #tpu.memory_space<vmem>>
      %dma_start3A_161 = tpu.memref_squeeze %dma_start3A_160 : memref<1x128xi32, #tpu.memory_space<vmem>> -> memref<128xi32, #tpu.memory_space<vmem>>
      %dma_start3A_162 = tpu.memref_slice %arg4[%add3A_12] : memref<16384xi32, #tpu.memory_space<hbm>> -> memref<128xi32, #tpu.memory_space<hbm>>
      %dma_start3A_163 = arith.constant 0 : i32
      %dma_start3A_164 = tpu.memref_slice %arg7[%run_scoped3A_13, %dma_start3A_163] : memref<4x128xi32, #tpu.memory_space<vmem>> -> memref<1x128xi32, #tpu.memory_space<vmem>>
      %dma_start3A_165 = tpu.memref_squeeze %dma_start3A_164 : memref<1x128xi32, #tpu.memory_space<vmem>> -> memref<128xi32, #tpu.memory_space<vmem>>
      %dma_start3A_166 = tpu.memref_slice %arg4[%add3A_12] : memref<16384xi32, #tpu.memory_space<hbm>> -> memref<128xi32, #tpu.memory_space<hbm>>
      tpu.enqueue_dma source(%dma_start3A_166 : memref<128xi32, #tpu.memory_space<hbm>>) target(%dma_start3A_165 : memref<128xi32, #tpu.memory_space<vmem>>) target_semaphore(%run_scoped3A_158 : memref<!tpu.dma_semaphore, #tpu.memory_space<semaphore_mem>>)
      %dma_wait3A_167 = arith.constant 0 : i32
      %dma_wait3A_168 = tpu.memref_slice %arg7[%run_scoped3A_13, %dma_wait3A_167] : memref<4x128xi32, #tpu.memory_space<vmem>> -> memref<1x128xi32, #tpu.memory_space<vmem>>
      %dma_wait3A_169 = tpu.memref_squeeze %dma_wait3A_168 : memref<1x128xi32, #tpu.memory_space<vmem>> -> memref<128xi32, #tpu.memory_space<vmem>>
      %dma_wait3A_170 = tpu.memref_slice %arg4[%add3A_12] : memref<16384xi32, #tpu.memory_space<hbm>> -> memref<128xi32, #tpu.memory_space<hbm>>
      %dma_wait3A_171 = arith.constant 0 : i32
      %dma_wait3A_172 = tpu.memref_slice %arg7[%run_scoped3A_13, %dma_wait3A_171] : memref<4x128xi32, #tpu.memory_space<vmem>> -> memref<1x128xi32, #tpu.memory_space<vmem>>
      %dma_wait3A_173 = tpu.memref_squeeze %dma_wait3A_172 : memref<1x128xi32, #tpu.memory_space<vmem>> -> memref<128xi32, #tpu.memory_space<vmem>>
      %dma_wait3A_174 = tpu.memref_slice %arg4[%add3A_12] : memref<16384xi32, #tpu.memory_space<hbm>> -> memref<128xi32, #tpu.memory_space<hbm>>
      tpu.wait_dma2 semaphore(%run_scoped3A_158 : memref<!tpu.dma_semaphore, #tpu.memory_space<semaphore_mem>>) src(%dma_wait3A_174 : memref<128xi32, #tpu.memory_space<hbm>>) dst(%dma_wait3A_173 : memref<128xi32, #tpu.memory_space<vmem>>)
      tpu.yield
    }) : () -> ()
    %dma_start3A = arith.constant 0 : i32
    %dma_start3A_14 = arith.constant 0 : i32
    %dma_start3A_15 = arith.constant 0 : i32
    %dma_start3A_16 = tpu.memref_slice %arg8[%dma_start3A_14, %dma_start3A_15] : memref<512x64xf32, #tpu.memory_space<vmem>> -> memref<128x64xf32, #tpu.memory_space<vmem>>
    %dma_start3A_17 = arith.constant 0 : i32
    %dma_start3A_18 = tpu.memref_slice %arg7[%dma_start3A, %dma_start3A_17] : memref<4x128xi32, #tpu.memory_space<vmem>> -> memref<1x128xi32, #tpu.memory_space<vmem>>
    %dma_start3A_19 = tpu.memref_squeeze %dma_start3A_18 : memref<1x128xi32, #tpu.memory_space<vmem>> -> memref<128xi32, #tpu.memory_space<vmem>>
    %dma_start3A_20 = arith.constant 0 : i32
    %dma_start3A_21 = arith.constant 0 : i32
    %dma_start3A_22 = tpu.memref_slice %arg2[%dma_start3A_20, %dma_start3A_21] : memref<1000000x64xf32, #tpu.memory_space<hbm>> -> memref<1000000x64xf32, #tpu.memory_space<hbm>>
    tpu.enqueue_indirect_dma source(%dma_start3A_22 : memref<1000000x64xf32, #tpu.memory_space<hbm>>) target(%dma_start3A_16 : memref<128x64xf32, #tpu.memory_space<vmem>>) offsets(%dma_start3A_19 : memref<128xi32, #tpu.memory_space<vmem>>) semaphore(%arg10 : memref<!tpu.dma_semaphore, #tpu.memory_space<semaphore_mem>>)
    %dma_start3A_23 = arith.constant 0 : i32
    %dma_start3A_24 = arith.constant 0 : i32
    %dma_start3A_25 = tpu.memref_slice %arg9[%dma_start3A_24] : memref<512xi32, #tpu.memory_space<vmem>> -> memref<128xi32, #tpu.memory_space<vmem>>
    %dma_start3A_26 = arith.constant 0 : i32
    %dma_start3A_27 = tpu.memref_slice %arg7[%dma_start3A_23, %dma_start3A_26] : memref<4x128xi32, #tpu.memory_space<vmem>> -> memref<1x128xi32, #tpu.memory_space<vmem>>
    %dma_start3A_28 = tpu.memref_squeeze %dma_start3A_27 : memref<1x128xi32, #tpu.memory_space<vmem>> -> memref<128xi32, #tpu.memory_space<vmem>>
    %dma_start3A_29 = arith.constant 0 : i32
    %dma_start3A_30 = tpu.memref_slice %arg3[%dma_start3A_29] : memref<1000000xi32, #tpu.memory_space<hbm>> -> memref<1000000xi32, #tpu.memory_space<hbm>>
    tpu.enqueue_indirect_dma source(%dma_start3A_30 : memref<1000000xi32, #tpu.memory_space<hbm>>) target(%dma_start3A_25 : memref<128xi32, #tpu.memory_space<vmem>>) offsets(%dma_start3A_28 : memref<128xi32, #tpu.memory_space<vmem>>) semaphore(%arg11 : memref<!tpu.dma_semaphore, #tpu.memory_space<semaphore_mem>>)
    %dma_start3A_31 = arith.constant 1 : i32
    %dma_start3A_32 = arith.constant 128 : i32
    %dma_start3A_33 = arith.constant 0 : i32
    %dma_start3A_34 = tpu.memref_slice %arg8[%dma_start3A_32, %dma_start3A_33] : memref<512x64xf32, #tpu.memory_space<vmem>> -> memref<128x64xf32, #tpu.memory_space<vmem>>
    %dma_start3A_35 = arith.constant 0 : i32
    %dma_start3A_36 = tpu.memref_slice %arg7[%dma_start3A_31, %dma_start3A_35] : memref<4x128xi32, #tpu.memory_space<vmem>> -> memref<1x128xi32, #tpu.memory_space<vmem>>
    %dma_start3A_37 = tpu.memref_squeeze %dma_start3A_36 : memref<1x128xi32, #tpu.memory_space<vmem>> -> memref<128xi32, #tpu.memory_space<vmem>>
    %dma_start3A_38 = arith.constant 0 : i32
    %dma_start3A_39 = arith.constant 0 : i32
    %dma_start3A_40 = tpu.memref_slice %arg2[%dma_start3A_38, %dma_start3A_39] : memref<1000000x64xf32, #tpu.memory_space<hbm>> -> memref<1000000x64xf32, #tpu.memory_space<hbm>>
    tpu.enqueue_indirect_dma source(%dma_start3A_40 : memref<1000000x64xf32, #tpu.memory_space<hbm>>) target(%dma_start3A_34 : memref<128x64xf32, #tpu.memory_space<vmem>>) offsets(%dma_start3A_37 : memref<128xi32, #tpu.memory_space<vmem>>) semaphore(%arg10 : memref<!tpu.dma_semaphore, #tpu.memory_space<semaphore_mem>>)
    %dma_start3A_41 = arith.constant 1 : i32
    %dma_start3A_42 = arith.constant 128 : i32
    %dma_start3A_43 = tpu.memref_slice %arg9[%dma_start3A_42] : memref<512xi32, #tpu.memory_space<vmem>> -> memref<128xi32, #tpu.memory_space<vmem>>
    %dma_start3A_44 = arith.constant 0 : i32
    %dma_start3A_45 = tpu.memref_slice %arg7[%dma_start3A_41, %dma_start3A_44] : memref<4x128xi32, #tpu.memory_space<vmem>> -> memref<1x128xi32, #tpu.memory_space<vmem>>
    %dma_start3A_46 = tpu.memref_squeeze %dma_start3A_45 : memref<1x128xi32, #tpu.memory_space<vmem>> -> memref<128xi32, #tpu.memory_space<vmem>>
    %dma_start3A_47 = arith.constant 0 : i32
    %dma_start3A_48 = tpu.memref_slice %arg3[%dma_start3A_47] : memref<1000000xi32, #tpu.memory_space<hbm>> -> memref<1000000xi32, #tpu.memory_space<hbm>>
    tpu.enqueue_indirect_dma source(%dma_start3A_48 : memref<1000000xi32, #tpu.memory_space<hbm>>) target(%dma_start3A_43 : memref<128xi32, #tpu.memory_space<vmem>>) offsets(%dma_start3A_46 : memref<128xi32, #tpu.memory_space<vmem>>) semaphore(%arg11 : memref<!tpu.dma_semaphore, #tpu.memory_space<semaphore_mem>>)
    %dma_start3A_49 = arith.constant 2 : i32
    %dma_start3A_50 = arith.constant 256 : i32
    %dma_start3A_51 = arith.constant 0 : i32
    %dma_start3A_52 = tpu.memref_slice %arg8[%dma_start3A_50, %dma_start3A_51] : memref<512x64xf32, #tpu.memory_space<vmem>> -> memref<128x64xf32, #tpu.memory_space<vmem>>
    %dma_start3A_53 = arith.constant 0 : i32
    %dma_start3A_54 = tpu.memref_slice %arg7[%dma_start3A_49, %dma_start3A_53] : memref<4x128xi32, #tpu.memory_space<vmem>> -> memref<1x128xi32, #tpu.memory_space<vmem>>
    %dma_start3A_55 = tpu.memref_squeeze %dma_start3A_54 : memref<1x128xi32, #tpu.memory_space<vmem>> -> memref<128xi32, #tpu.memory_space<vmem>>
    %dma_start3A_56 = arith.constant 0 : i32
    %dma_start3A_57 = arith.constant 0 : i32
    %dma_start3A_58 = tpu.memref_slice %arg2[%dma_start3A_56, %dma_start3A_57] : memref<1000000x64xf32, #tpu.memory_space<hbm>> -> memref<1000000x64xf32, #tpu.memory_space<hbm>>
    tpu.enqueue_indirect_dma source(%dma_start3A_58 : memref<1000000x64xf32, #tpu.memory_space<hbm>>) target(%dma_start3A_52 : memref<128x64xf32, #tpu.memory_space<vmem>>) offsets(%dma_start3A_55 : memref<128xi32, #tpu.memory_space<vmem>>) semaphore(%arg10 : memref<!tpu.dma_semaphore, #tpu.memory_space<semaphore_mem>>)
    %dma_start3A_59 = arith.constant 2 : i32
    %dma_start3A_60 = arith.constant 256 : i32
    %dma_start3A_61 = tpu.memref_slice %arg9[%dma_start3A_60] : memref<512xi32, #tpu.memory_space<vmem>> -> memref<128xi32, #tpu.memory_space<vmem>>
    %dma_start3A_62 = arith.constant 0 : i32
    %dma_start3A_63 = tpu.memref_slice %arg7[%dma_start3A_59, %dma_start3A_62] : memref<4x128xi32, #tpu.memory_space<vmem>> -> memref<1x128xi32, #tpu.memory_space<vmem>>
    %dma_start3A_64 = tpu.memref_squeeze %dma_start3A_63 : memref<1x128xi32, #tpu.memory_space<vmem>> -> memref<128xi32, #tpu.memory_space<vmem>>
    %dma_start3A_65 = arith.constant 0 : i32
    %dma_start3A_66 = tpu.memref_slice %arg3[%dma_start3A_65] : memref<1000000xi32, #tpu.memory_space<hbm>> -> memref<1000000xi32, #tpu.memory_space<hbm>>
    tpu.enqueue_indirect_dma source(%dma_start3A_66 : memref<1000000xi32, #tpu.memory_space<hbm>>) target(%dma_start3A_61 : memref<128xi32, #tpu.memory_space<vmem>>) offsets(%dma_start3A_64 : memref<128xi32, #tpu.memory_space<vmem>>) semaphore(%arg11 : memref<!tpu.dma_semaphore, #tpu.memory_space<semaphore_mem>>)
    %dma_start3A_67 = arith.constant 3 : i32
    %dma_start3A_68 = arith.constant 384 : i32
    %dma_start3A_69 = arith.constant 0 : i32
    %dma_start3A_70 = tpu.memref_slice %arg8[%dma_start3A_68, %dma_start3A_69] : memref<512x64xf32, #tpu.memory_space<vmem>> -> memref<128x64xf32, #tpu.memory_space<vmem>>
    %dma_start3A_71 = arith.constant 0 : i32
    %dma_start3A_72 = tpu.memref_slice %arg7[%dma_start3A_67, %dma_start3A_71] : memref<4x128xi32, #tpu.memory_space<vmem>> -> memref<1x128xi32, #tpu.memory_space<vmem>>
    %dma_start3A_73 = tpu.memref_squeeze %dma_start3A_72 : memref<1x128xi32, #tpu.memory_space<vmem>> -> memref<128xi32, #tpu.memory_space<vmem>>
    %dma_start3A_74 = arith.constant 0 : i32
    %dma_start3A_75 = arith.constant 0 : i32
    %dma_start3A_76 = tpu.memref_slice %arg2[%dma_start3A_74, %dma_start3A_75] : memref<1000000x64xf32, #tpu.memory_space<hbm>> -> memref<1000000x64xf32, #tpu.memory_space<hbm>>
    tpu.enqueue_indirect_dma source(%dma_start3A_76 : memref<1000000x64xf32, #tpu.memory_space<hbm>>) target(%dma_start3A_70 : memref<128x64xf32, #tpu.memory_space<vmem>>) offsets(%dma_start3A_73 : memref<128xi32, #tpu.memory_space<vmem>>) semaphore(%arg10 : memref<!tpu.dma_semaphore, #tpu.memory_space<semaphore_mem>>)
    %dma_start3A_77 = arith.constant 3 : i32
    %dma_start3A_78 = arith.constant 384 : i32
    %dma_start3A_79 = tpu.memref_slice %arg9[%dma_start3A_78] : memref<512xi32, #tpu.memory_space<vmem>> -> memref<128xi32, #tpu.memory_space<vmem>>
    %dma_start3A_80 = arith.constant 0 : i32
    %dma_start3A_81 = tpu.memref_slice %arg7[%dma_start3A_77, %dma_start3A_80] : memref<4x128xi32, #tpu.memory_space<vmem>> -> memref<1x128xi32, #tpu.memory_space<vmem>>
    %dma_start3A_82 = tpu.memref_squeeze %dma_start3A_81 : memref<1x128xi32, #tpu.memory_space<vmem>> -> memref<128xi32, #tpu.memory_space<vmem>>
    %dma_start3A_83 = arith.constant 0 : i32
    %dma_start3A_84 = tpu.memref_slice %arg3[%dma_start3A_83] : memref<1000000xi32, #tpu.memory_space<hbm>> -> memref<1000000xi32, #tpu.memory_space<hbm>>
    tpu.enqueue_indirect_dma source(%dma_start3A_84 : memref<1000000xi32, #tpu.memory_space<hbm>>) target(%dma_start3A_79 : memref<128xi32, #tpu.memory_space<vmem>>) offsets(%dma_start3A_82 : memref<128xi32, #tpu.memory_space<vmem>>) semaphore(%arg11 : memref<!tpu.dma_semaphore, #tpu.memory_space<semaphore_mem>>)
    %dma_wait3A = arith.constant 0 : i32
    %dma_wait3A_85 = arith.constant 0 : i32
    %dma_wait3A_86 = arith.constant 0 : i32
    %dma_wait3A_87 = tpu.memref_slice %arg8[%dma_wait3A_85, %dma_wait3A_86] : memref<512x64xf32, #tpu.memory_space<vmem>> -> memref<128x64xf32, #tpu.memory_space<vmem>>
    %dma_wait3A_88 = arith.constant 0 : i32
    %dma_wait3A_89 = tpu.memref_slice %arg7[%dma_wait3A, %dma_wait3A_88] : memref<4x128xi32, #tpu.memory_space<vmem>> -> memref<1x128xi32, #tpu.memory_space<vmem>>
    %dma_wait3A_90 = tpu.memref_squeeze %dma_wait3A_89 : memref<1x128xi32, #tpu.memory_space<vmem>> -> memref<128xi32, #tpu.memory_space<vmem>>
    %dma_wait3A_91 = arith.constant 0 : i32
    %dma_wait3A_92 = arith.constant 0 : i32
    %dma_wait3A_93 = tpu.memref_slice %arg2[%dma_wait3A_91, %dma_wait3A_92] : memref<1000000x64xf32, #tpu.memory_space<hbm>> -> memref<1000000x64xf32, #tpu.memory_space<hbm>>
    tpu.wait_indirect_dma semaphore(%arg10 : memref<!tpu.dma_semaphore, #tpu.memory_space<semaphore_mem>>) src(%dma_wait3A_93 : memref<1000000x64xf32, #tpu.memory_space<hbm>>) dst(%dma_wait3A_87 : memref<128x64xf32, #tpu.memory_space<vmem>>)
    %dma_wait3A_94 = arith.constant 0 : i32
    %dma_wait3A_95 = arith.constant 0 : i32
    %dma_wait3A_96 = tpu.memref_slice %arg9[%dma_wait3A_95] : memref<512xi32, #tpu.memory_space<vmem>> -> memref<128xi32, #tpu.memory_space<vmem>>
    %dma_wait3A_97 = arith.constant 0 : i32
    %dma_wait3A_98 = tpu.memref_slice %arg7[%dma_wait3A_94, %dma_wait3A_97] : memref<4x128xi32, #tpu.memory_space<vmem>> -> memref<1x128xi32, #tpu.memory_space<vmem>>
    %dma_wait3A_99 = tpu.memref_squeeze %dma_wait3A_98 : memref<1x128xi32, #tpu.memory_space<vmem>> -> memref<128xi32, #tpu.memory_space<vmem>>
    %dma_wait3A_100 = arith.constant 0 : i32
    %dma_wait3A_101 = tpu.memref_slice %arg3[%dma_wait3A_100] : memref<1000000xi32, #tpu.memory_space<hbm>> -> memref<1000000xi32, #tpu.memory_space<hbm>>
    tpu.wait_indirect_dma semaphore(%arg11 : memref<!tpu.dma_semaphore, #tpu.memory_space<semaphore_mem>>) src(%dma_wait3A_101 : memref<1000000xi32, #tpu.memory_space<hbm>>) dst(%dma_wait3A_96 : memref<128xi32, #tpu.memory_space<vmem>>)
    %dma_wait3A_102 = arith.constant 1 : i32
    %dma_wait3A_103 = arith.constant 128 : i32
    %dma_wait3A_104 = arith.constant 0 : i32
    %dma_wait3A_105 = tpu.memref_slice %arg8[%dma_wait3A_103, %dma_wait3A_104] : memref<512x64xf32, #tpu.memory_space<vmem>> -> memref<128x64xf32, #tpu.memory_space<vmem>>
    %dma_wait3A_106 = arith.constant 0 : i32
    %dma_wait3A_107 = tpu.memref_slice %arg7[%dma_wait3A_102, %dma_wait3A_106] : memref<4x128xi32, #tpu.memory_space<vmem>> -> memref<1x128xi32, #tpu.memory_space<vmem>>
    %dma_wait3A_108 = tpu.memref_squeeze %dma_wait3A_107 : memref<1x128xi32, #tpu.memory_space<vmem>> -> memref<128xi32, #tpu.memory_space<vmem>>
    %dma_wait3A_109 = arith.constant 0 : i32
    %dma_wait3A_110 = arith.constant 0 : i32
    %dma_wait3A_111 = tpu.memref_slice %arg2[%dma_wait3A_109, %dma_wait3A_110] : memref<1000000x64xf32, #tpu.memory_space<hbm>> -> memref<1000000x64xf32, #tpu.memory_space<hbm>>
    tpu.wait_indirect_dma semaphore(%arg10 : memref<!tpu.dma_semaphore, #tpu.memory_space<semaphore_mem>>) src(%dma_wait3A_111 : memref<1000000x64xf32, #tpu.memory_space<hbm>>) dst(%dma_wait3A_105 : memref<128x64xf32, #tpu.memory_space<vmem>>)
    %dma_wait3A_112 = arith.constant 1 : i32
    %dma_wait3A_113 = arith.constant 128 : i32
    %dma_wait3A_114 = tpu.memref_slice %arg9[%dma_wait3A_113] : memref<512xi32, #tpu.memory_space<vmem>> -> memref<128xi32, #tpu.memory_space<vmem>>
    %dma_wait3A_115 = arith.constant 0 : i32
    %dma_wait3A_116 = tpu.memref_slice %arg7[%dma_wait3A_112, %dma_wait3A_115] : memref<4x128xi32, #tpu.memory_space<vmem>> -> memref<1x128xi32, #tpu.memory_space<vmem>>
    %dma_wait3A_117 = tpu.memref_squeeze %dma_wait3A_116 : memref<1x128xi32, #tpu.memory_space<vmem>> -> memref<128xi32, #tpu.memory_space<vmem>>
    %dma_wait3A_118 = arith.constant 0 : i32
    %dma_wait3A_119 = tpu.memref_slice %arg3[%dma_wait3A_118] : memref<1000000xi32, #tpu.memory_space<hbm>> -> memref<1000000xi32, #tpu.memory_space<hbm>>
    tpu.wait_indirect_dma semaphore(%arg11 : memref<!tpu.dma_semaphore, #tpu.memory_space<semaphore_mem>>) src(%dma_wait3A_119 : memref<1000000xi32, #tpu.memory_space<hbm>>) dst(%dma_wait3A_114 : memref<128xi32, #tpu.memory_space<vmem>>)
    %dma_wait3A_120 = arith.constant 2 : i32
    %dma_wait3A_121 = arith.constant 256 : i32
    %dma_wait3A_122 = arith.constant 0 : i32
    %dma_wait3A_123 = tpu.memref_slice %arg8[%dma_wait3A_121, %dma_wait3A_122] : memref<512x64xf32, #tpu.memory_space<vmem>> -> memref<128x64xf32, #tpu.memory_space<vmem>>
    %dma_wait3A_124 = arith.constant 0 : i32
    %dma_wait3A_125 = tpu.memref_slice %arg7[%dma_wait3A_120, %dma_wait3A_124] : memref<4x128xi32, #tpu.memory_space<vmem>> -> memref<1x128xi32, #tpu.memory_space<vmem>>
    %dma_wait3A_126 = tpu.memref_squeeze %dma_wait3A_125 : memref<1x128xi32, #tpu.memory_space<vmem>> -> memref<128xi32, #tpu.memory_space<vmem>>
    %dma_wait3A_127 = arith.constant 0 : i32
    %dma_wait3A_128 = arith.constant 0 : i32
    %dma_wait3A_129 = tpu.memref_slice %arg2[%dma_wait3A_127, %dma_wait3A_128] : memref<1000000x64xf32, #tpu.memory_space<hbm>> -> memref<1000000x64xf32, #tpu.memory_space<hbm>>
    tpu.wait_indirect_dma semaphore(%arg10 : memref<!tpu.dma_semaphore, #tpu.memory_space<semaphore_mem>>) src(%dma_wait3A_129 : memref<1000000x64xf32, #tpu.memory_space<hbm>>) dst(%dma_wait3A_123 : memref<128x64xf32, #tpu.memory_space<vmem>>)
    %dma_wait3A_130 = arith.constant 2 : i32
    %dma_wait3A_131 = arith.constant 256 : i32
    %dma_wait3A_132 = tpu.memref_slice %arg9[%dma_wait3A_131] : memref<512xi32, #tpu.memory_space<vmem>> -> memref<128xi32, #tpu.memory_space<vmem>>
    %dma_wait3A_133 = arith.constant 0 : i32
    %dma_wait3A_134 = tpu.memref_slice %arg7[%dma_wait3A_130, %dma_wait3A_133] : memref<4x128xi32, #tpu.memory_space<vmem>> -> memref<1x128xi32, #tpu.memory_space<vmem>>
    %dma_wait3A_135 = tpu.memref_squeeze %dma_wait3A_134 : memref<1x128xi32, #tpu.memory_space<vmem>> -> memref<128xi32, #tpu.memory_space<vmem>>
    %dma_wait3A_136 = arith.constant 0 : i32
    %dma_wait3A_137 = tpu.memref_slice %arg3[%dma_wait3A_136] : memref<1000000xi32, #tpu.memory_space<hbm>> -> memref<1000000xi32, #tpu.memory_space<hbm>>
    tpu.wait_indirect_dma semaphore(%arg11 : memref<!tpu.dma_semaphore, #tpu.memory_space<semaphore_mem>>) src(%dma_wait3A_137 : memref<1000000xi32, #tpu.memory_space<hbm>>) dst(%dma_wait3A_132 : memref<128xi32, #tpu.memory_space<vmem>>)
    %dma_wait3A_138 = arith.constant 3 : i32
    %dma_wait3A_139 = arith.constant 384 : i32
    %dma_wait3A_140 = arith.constant 0 : i32
    %dma_wait3A_141 = tpu.memref_slice %arg8[%dma_wait3A_139, %dma_wait3A_140] : memref<512x64xf32, #tpu.memory_space<vmem>> -> memref<128x64xf32, #tpu.memory_space<vmem>>
    %dma_wait3A_142 = arith.constant 0 : i32
    %dma_wait3A_143 = tpu.memref_slice %arg7[%dma_wait3A_138, %dma_wait3A_142] : memref<4x128xi32, #tpu.memory_space<vmem>> -> memref<1x128xi32, #tpu.memory_space<vmem>>
    %dma_wait3A_144 = tpu.memref_squeeze %dma_wait3A_143 : memref<1x128xi32, #tpu.memory_space<vmem>> -> memref<128xi32, #tpu.memory_space<vmem>>
    %dma_wait3A_145 = arith.constant 0 : i32
    %dma_wait3A_146 = arith.constant 0 : i32
    %dma_wait3A_147 = tpu.memref_slice %arg2[%dma_wait3A_145, %dma_wait3A_146] : memref<1000000x64xf32, #tpu.memory_space<hbm>> -> memref<1000000x64xf32, #tpu.memory_space<hbm>>
    tpu.wait_indirect_dma semaphore(%arg10 : memref<!tpu.dma_semaphore, #tpu.memory_space<semaphore_mem>>) src(%dma_wait3A_147 : memref<1000000x64xf32, #tpu.memory_space<hbm>>) dst(%dma_wait3A_141 : memref<128x64xf32, #tpu.memory_space<vmem>>)
    %dma_wait3A_148 = arith.constant 3 : i32
    %dma_wait3A_149 = arith.constant 384 : i32
    %dma_wait3A_150 = tpu.memref_slice %arg9[%dma_wait3A_149] : memref<512xi32, #tpu.memory_space<vmem>> -> memref<128xi32, #tpu.memory_space<vmem>>
    %dma_wait3A_151 = arith.constant 0 : i32
    %dma_wait3A_152 = tpu.memref_slice %arg7[%dma_wait3A_148, %dma_wait3A_151] : memref<4x128xi32, #tpu.memory_space<vmem>> -> memref<1x128xi32, #tpu.memory_space<vmem>>
    %dma_wait3A_153 = tpu.memref_squeeze %dma_wait3A_152 : memref<1x128xi32, #tpu.memory_space<vmem>> -> memref<128xi32, #tpu.memory_space<vmem>>
    %dma_wait3A_154 = arith.constant 0 : i32
    %dma_wait3A_155 = tpu.memref_slice %arg3[%dma_wait3A_154] : memref<1000000xi32, #tpu.memory_space<hbm>> -> memref<1000000xi32, #tpu.memory_space<hbm>>
    tpu.wait_indirect_dma semaphore(%arg11 : memref<!tpu.dma_semaphore, #tpu.memory_space<semaphore_mem>>) src(%dma_wait3A_155 : memref<1000000xi32, #tpu.memory_space<hbm>>) dst(%dma_wait3A_150 : memref<128xi32, #tpu.memory_space<vmem>>)
    %mul3A_156 = arith.constant 512 : i32
    %mul3A_157 = arith.muli %add3A, %mul3A_156 : i32
    "tpu.region"() ({
      %run_scoped3A_158 = tpu.sem_alloc : memref<!tpu.dma_semaphore, #tpu.memory_space<semaphore_mem>>
      %dma_start3A_159 = arith.constant 0 : i32
      %dma_start3A_160 = tpu.memref_slice %arg5[%mul3A_157, %dma_start3A_159] : memref<16384x64xf32, #tpu.memory_space<hbm>> -> memref<512x64xf32, #tpu.memory_space<hbm>>
      %dma_start3A_161 = arith.constant 0 : i32
      %dma_start3A_162 = tpu.memref_slice %arg5[%mul3A_157, %dma_start3A_161] : memref<16384x64xf32, #tpu.memory_space<hbm>> -> memref<512x64xf32, #tpu.memory_space<hbm>>
      tpu.enqueue_dma source(%arg8 : memref<512x64xf32, #tpu.memory_space<vmem>>) target(%dma_start3A_162 : memref<512x64xf32, #tpu.memory_space<hbm>>) target_semaphore(%run_scoped3A_158 : memref<!tpu.dma_semaphore, #tpu.memory_space<semaphore_mem>>)
      %dma_wait3A_163 = arith.constant 0 : i32
      %dma_wait3A_164 = tpu.memref_slice %arg5[%mul3A_157, %dma_wait3A_163] : memref<16384x64xf32, #tpu.memory_space<hbm>> -> memref<512x64xf32, #tpu.memory_space<hbm>>
      %dma_wait3A_165 = arith.constant 0 : i32
      %dma_wait3A_166 = tpu.memref_slice %arg5[%mul3A_157, %dma_wait3A_165] : memref<16384x64xf32, #tpu.memory_space<hbm>> -> memref<512x64xf32, #tpu.memory_space<hbm>>
      tpu.wait_dma2 semaphore(%run_scoped3A_158 : memref<!tpu.dma_semaphore, #tpu.memory_space<semaphore_mem>>) src(%arg8 : memref<512x64xf32, #tpu.memory_space<vmem>>) dst(%dma_wait3A_166 : memref<512x64xf32, #tpu.memory_space<hbm>>)
      tpu.yield
    }) : () -> ()
    "tpu.region"() ({
      %run_scoped3A_158 = tpu.sem_alloc : memref<!tpu.dma_semaphore, #tpu.memory_space<semaphore_mem>>
      %dma_start3A_159 = tpu.memref_slice %arg6[%mul3A_157] : memref<16384xi32, #tpu.memory_space<hbm>> -> memref<512xi32, #tpu.memory_space<hbm>>
      %dma_start3A_160 = tpu.memref_slice %arg6[%mul3A_157] : memref<16384xi32, #tpu.memory_space<hbm>> -> memref<512xi32, #tpu.memory_space<hbm>>
      tpu.enqueue_dma source(%arg9 : memref<512xi32, #tpu.memory_space<vmem>>) target(%dma_start3A_160 : memref<512xi32, #tpu.memory_space<hbm>>) target_semaphore(%run_scoped3A_158 : memref<!tpu.dma_semaphore, #tpu.memory_space<semaphore_mem>>)
      %dma_wait3A_161 = tpu.memref_slice %arg6[%mul3A_157] : memref<16384xi32, #tpu.memory_space<hbm>> -> memref<512xi32, #tpu.memory_space<hbm>>
      %dma_wait3A_162 = tpu.memref_slice %arg6[%mul3A_157] : memref<16384xi32, #tpu.memory_space<hbm>> -> memref<512xi32, #tpu.memory_space<hbm>>
      tpu.wait_dma2 semaphore(%run_scoped3A_158 : memref<!tpu.dma_semaphore, #tpu.memory_space<semaphore_mem>>) src(%arg9 : memref<512xi32, #tpu.memory_space<vmem>>) dst(%dma_wait3A_162 : memref<512xi32, #tpu.memory_space<hbm>>)
      tpu.yield
    }) : () -> ()
    return
  }
}

</mosaic_0001>

<sc_bundles>
// kernel: kernel.3.cloned.1.call-start
scs
__scs_entry_jumppad:
0x0: {  	(pc) =	sbr.rel $0x88, $3  }
0x1: {  	(tag) =	ssettag $0x0;
	lr =	simm.s32 $0x1  }
0x2: {  	[smem:$0x3F9E] =	sst lr;
	_ =	strace $0xD0000000  }
0x3: {  	_ = 	snop  }
0x4: {  	_ = 	snop  }
0x5: {  	_ = 	snop  }
0x6: {  	_ = 	snop  }
0x7: {  	_ = 	snop  }
__scs_overlays_trampoline_lowered:
0x8: {  	[smem:$0x3FAD] =	sst s0  }
0x9: {  	[smem:$0x3FAE] =	sst s1  }
0xa: {  	[smem:$0x3FAF] =	sst s2  }
0xb: {  	[smem:$0x3FB0] =	sst s3  }
0xc: {  	[smem:$0x3FB1] =	sst s4  }
0xd: {  	[smem:$0x3FB2] =	sst s5  }
0xe: {  	[smem:$0x3FB3] =	sst s6  }
0xf: {  	[smem:$0x3FB4] =	sst s7  }
0x10: {  	[smem:$0x3FB5] =	sst s8  }
0x11: {  	[smem:$0x3FB6] =	sst s9;
	s0 =	simm.s32 @!p0 $0x0  }
0x12: {  	s1 =	sld [smem:$0x3F9C];
	s0 =	simm.s32 @p0 $0x1  }
0x13: {  	[smem:$0x3FB7] =	sst s0;
	s0 =	simm.s32 @!p1 $0x0  }
0x14: {  	s2 =	sld [smem:$0x3F9B];
	s0 =	simm.s32 @p1 $0x1  }
0x15: {  	[smem:$0x3FB8] =	sst s0;
	s0 =	simm.s32 @!p2 $0x0  }
0x16: {  	s3 =	sld [smem:$0x3FDB];
	s0 =	simm.s32 @p2 $0x1  }
0x17: {  	s4 =	simm.s32 $0x1BF5;
	[smem:$0x3FBA] =	sst s0  }
0x18: {  	s0 =	sld [smem:$0x3F9D];
	_ =	swait.ge [sflag:s4], $0x0  }
0x19: {  	s7 =	sld [smem:$0x3F9E]  }
0x1a: {  	s8 =	sadd.s32 $0xFFFFE003, lr  }
0x1b: {  	s9 =	sadd.s32 $0xFFFFFEF7, lr;
	s5 =	simm.s32 $0xFFFFFFFF;
	p2 =	slt.u32 s8, $0xFFFFF086  }
0x1c: {  	p1 =	slt.u32 s9, $0xF7A;
	s5 =	simm.s32 @!p2 $0x0  }
0x1d: {  	s5 =	simm.s32 @p1 $0x1;
	p0 =	seq.s32 s7, s2  }
0x1e: {  	s7 =	smul.u32 @!p0 $0xF7A, s2;
	p2 =	seq.s32 @!p0 s5, $0x0  }
0x1f: {  	s9 =	smul.u32 $0xF7A, s1;
	s8 =	simm.s32 @!p0 $0x1BF5;
	p2 =	por !p2, p0  }
0x20: {  	[sflag:s8] =	ssyncset.s32 @!p0 $0xFFFFF086;
	s6 =	sadd.s32 @!p0 s3, s7;
	s7 =	simm.s32 @!p0 $0x108  }
0x21: {  	s3 =	sadd.s32 s3, s9;
	s6 =	sadd.s32 @!p0 $0x88, s6;
	s7 =	simm.s32 @p2 $0x1082  }
0x22: {  	[simem:s7], [sflag:s8] =	dma.local @!p0 [hbm:s6], $0xF7A  }
0x23: {  	s9 =	sor.u32 $0xD0000000, s2;
	s6 =	simm.s32 $0x108;
	_ =	swait.ge @!p0 [sflag:s8], $0x0  }
0x24: {  	s3 =	sadd.s32 $0x88, s3;
	s6 =	simm.s32 @!p1 $0x1082;
	[sflag:s4] =	ssyncset.s32 $0xFFFFF086  }
0x25: {  	[simem:s6], [sflag:s4] =	dma.local [hbm:s3], $0xF7A  }
0x26: {  	[smem:$0x3F9E] =	sst s1;
	(tag) =	ssettag s2;
	_ =	strace s9  }
0x27: {  	s1 =	sld [smem:$0x3FAE]  }
0x28: {  	s2 =	sld [smem:$0x3FAF]  }
0x29: {  	s4 =	sld [smem:$0x3FB1]  }
0x2a: {  	p0 =	seq.s32 s5, $0x0;
	s5 =	sld [smem:$0x3FB2]  }
0x2b: {  	s6 =	sld [smem:$0x3FB3]  }
0x2c: {  	s7 =	sld [smem:$0x3FB4]  }
0x2d: {  	s3 =	simm.s32 $0x108;
	s8 =	sld [smem:$0x3FB5]  }
0x2e: {  	s3 =	simm.s32 @!p0 $0x1082;
	s9 =	sld [smem:$0x3FB6]  }
0x2f: {  	lr =	sadd.s32 s0, s3;
	s0 =	sld [smem:$0x3FAD]  }
0x30: {  	s3 =	sld [smem:$0x3FB0]  }
0x31: {  	[smem:$0x3FB9] =	sst s10  }
0x32: {  	s10 =	sld [smem:$0x3FB7];
	_ =	sdelay $0x3  }
0x33: {  	p0 =	seq.s32 s10, $0x1;
	s10 =	sld [smem:$0x3FB9];
	_ =	sdelay $0x3  }
0x34: {  	[smem:$0x3FB9] =	sst s10  }
0x35: {  	s10 =	sld [smem:$0x3FB8];
	_ =	sdelay $0x3  }
0x36: {  	p1 =	seq.s32 s10, $0x1;
	s10 =	sld [smem:$0x3FB9];
	_ =	sdelay $0x3  }
0x37: {  	[smem:$0x3FB9] =	sst s10  }
0x38: {  	s10 =	sld [smem:$0x3FBA]  }
0x39: {  	_ = 	snop;
	(pc) =	sbr.ind lr, $3  }
0x3a: {  	_ = 	snop  }
0x3b: {  	_ = 	snop  }
0x3c: {  	p2 =	seq.s32 s10, $0x1;
	s10 =	sld [smem:$0x3FB9]  }
0x3d: {  	_ =	shalt  }
0x3e: {  	_ =	shalt  }
0x3f: {  	_ =	shalt  }
0x40: {  	_ =	shalt  }
0x41: {  	_ =	shalt  }
0x42: {  	_ =	shalt  }
0x43: {  	_ =	shalt  }
0x44: {  	_ =	shalt  }
0x45: {  	_ =	shalt  }
0x46: {  	_ =	shalt  }
0x47: {  	_ =	shalt  }
0x48: {  	_ =	shalt  }
0x49: {  	_ =	shalt  }
0x4a: {  	_ =	shalt  }
0x4b: {  	_ =	shalt  }
0x4c: {  	_ =	shalt  }
0x4d: {  	_ =	shalt  }
0x4e: {  	_ =	shalt  }
0x4f: {  	_ =	shalt  }
0x50: {  	_ =	shalt  }
0x51: {  	_ =	shalt  }
0x52: {  	_ =	shalt  }
0x53: {  	_ =	shalt  }
0x54: {  	_ =	shalt  }
0x55: {  	_ =	shalt  }
0x56: {  	_ =	shalt  }
0x57: {  	_ =	shalt  }
0x58: {  	_ =	shalt  }
0x59: {  	_ =	shalt  }
0x5a: {  	_ =	shalt  }
0x5b: {  	_ =	shalt  }
0x5c: {  	_ =	shalt  }
0x5d: {  	_ =	shalt  }
0x5e: {  	_ =	shalt  }
0x5f: {  	_ =	shalt  }
0x60: {  	_ =	shalt  }
0x61: {  	_ =	shalt  }
0x62: {  	_ =	shalt  }
0x63: {  	_ =	shalt  }
0x64: {  	_ =	shalt  }
0x65: {  	_ =	shalt  }
0x66: {  	_ =	shalt  }
0x67: {  	_ =	shalt  }
0x68: {  	_ =	shalt  }
0x69: {  	_ =	shalt  }
0x6a: {  	_ =	shalt  }
0x6b: {  	_ =	shalt  }
0x6c: {  	_ =	shalt  }
0x6d: {  	_ =	shalt  }
0x6e: {  	_ =	shalt  }
0x6f: {  	_ =	shalt  }
0x70: {  	_ =	shalt  }
0x71: {  	_ =	shalt  }
0x72: {  	_ =	shalt  }
0x73: {  	_ =	shalt  }
0x74: {  	_ =	shalt  }
0x75: {  	_ =	shalt  }
0x76: {  	_ =	shalt  }
0x77: {  	_ =	shalt  }
0x78: {  	_ =	shalt  }
0x79: {  	_ =	shalt  }
0x7a: {  	_ =	shalt  }
0x7b: {  	_ =	shalt  }
0x7c: {  	_ =	shalt  }
0x7d: {  	_ =	shalt  }
0x7e: {  	_ =	shalt  }
0x7f: {  	_ =	shalt  }
0x80: {  	_ =	shalt  }
0x81: {  	_ =	shalt  }
0x82: {  	_ =	shalt  }
0x83: {  	_ =	shalt  }
0x84: {  	_ =	shalt  }
0x85: {  	_ =	shalt  }
0x86: {  	_ =	shalt  }
0x87: {  	_ =	shalt  }
.Lfunc_end0:
.L_simem_size_0:
called_computation_lowered:
.L_overlay_start_0:
0x88: {  	s2 =	sld [smem:$0x3FD9]  }
0x89: {  	s3 =	sld [smem:$0x3FFE];
	_ =	sdelay $0x1  }
0x8a: {  	s1 =	srdreg.scid  }
0x8b: {  	s0 =	sand.u32 $0x1, s1  }
0x8c: {  	s14 =	sshll.u32 s0, $0xA;
	s2 =	sadd.s32 s3, s2  }
0x8d: {  	s2 =	sadd.s32 s2, s14  }
0x8e: {  	[smem:$0x3FC5] =	sst s2  }
0x8f: {  	_ = 	snop  }
0x90: {  	s2 =	sld [smem:$0x3FD0];
	_ =	sdelay $0x1  }
0x91: {  	s15 =	sld [smem:$0x3FC9]  }
0x92: {  	s5 =	simm.s32 $0xA;
	s6 =	simm.s32 $0x10;
	s4 =	sld [smem:$0x3FC7]  }
0x93: {  	[smem:s6], [sflag:s5] =	dma.local [hbm:s2], $0x1  }
0x94: {  	_ =	swait.eq [sflag:s5], $0x1  }
0x95: {  	[sflag:s5] =	ssyncset.done $0x0  }
0x96: {  	s16 =	sld [smem:$0x10];
	[sflag:s5] =	ssyncadd.s32 $0xFFFFFFFF  }
0x97: {  	s17 =	sld [smem:$0x11];
	(tm) =	ssettm $0x1  }
0x98: {  	s18 =	sld [smem:$0x3FFB];
	_ =	sdelay $0x3  }
0x99: {  	_ =	strace s18  }
0x9a: {  	s6 =	sld [smem:$0x3FFC];
	_ =	sdelay $0x3  }
0x9b: {  	_ =	strace s6  }
0x9c: {  	s6 =	sld [smem:$0x3FFD];
	_ =	sdelay $0x3  }
0x9d: {  	_ =	strace s6  }
0x9e: {  	_ =	strace $0x8FFFFFFF  }
0x9f: {  	s19 =	sld [smem:$0x3FDB];
	_ =	sdelay $0x1  }
0xa0: {  	s7 =	simm.s32 $_scs_section_size  }
0xa1: {  	s8 =	simm.s32 $_size__tile_overlayer_lowered;
	s9 =	simm.s32 $_tile_overlayer_lowered  }
0xa2: {  	s22 =	simm.s32 $0x1BFF;
	s21 =	sshll.u32 s9, $0x1;
	s6 =	sadd.s32 s7, s19  }
0xa3: {  	s10 =	simm.s32 $0x0;
	s20 =	sshll.u32 s8, $0x1;
	s8 =	sadd.s32 s21, s6  }
0xa4: {  	[timem:s10], [sflag:s22] =	dma.local [hbm:s8], s20  }
0xa5: {  	_ =	swait.ge [sflag:s22], s20  }
0xa6: {  	s7 =	ssub.s32 $0x0, s20;
	[sflag:s22] =	ssyncset.done $0x0  }
0xa7: {  	[sflag:s22] =	ssyncadd.s32 s7;
	_ =	sdelay $0x1  }
0xa8: {  	s23 =	simm.s32 $0x1B8B  }
0xa9: {  	_ =	swait.ge [sflag:s23], $0x1  }
0xaa: {  	[sflag:s23] =	ssyncset.done $0x0  }
0xab: {  	s25 =	simm.s32 $0x1B8E;
	s24 =	sld [smem:$0x3FFE];
	[sflag:s23] =	ssyncadd.s32 $0xFFFFFFFF  }
0xac: {  	s26 =	simm.s32 $execute0_lowered;
	[smem:$0x3FD2] =	sst s25  }
0xad: {  	s8 =	sshll.u32 s26, $0x1;
	_ =	strace $0x80000046;
	[dreg:$0x1] =	wrdreg $0xFFFFFFFF  }
0xae: {  	s28 =	simm.s32 $_size_execute0_lowered;
	s6 =	sadd.s32 s6, s8;
	[dreg:$0x0] =	wrdreg $0x0  }
0xaf: {  	s8 =	sshll.u32 s28, $0x1;
	[dreg:$0x2] =	wrdreg s6  }
0xb0: {  	[dreg:$0x3] =	wrdreg s8  }
0xb1: {  	[dreg:$0x4] =	wrdreg $0xC0  }
0xb2: {  	_ =	task [dreg:s10], $0x5FFFF  }
0xb3: {  	[dreg:$0x1] =	wrdreg $0xFFFFFFFF  }
0xb4: {  	[dreg:$0x0] =	wrdreg $0x60  }
0xb5: {  	[dreg:$0x2] =	wrdreg s24  }
0xb6: {  	[dreg:$0x3] =	wrdreg s4  }
0xb7: {  	[dreg:$0x4] =	wrdreg s15  }
0xb8: {  	[dreg:$0x5] =	wrdreg s16  }
0xb9: {  	[dreg:$0x6] =	wrdreg s17  }
0xba: {  	[dreg:$0x7] =	wrdreg $0x9  }
0xbb: {  	_ =	task.clear_ibuf [dreg:s10], $0x8FFFF;
	_ =	strace $0x90000046  }
0xbc: {  	s29 =	simm.s32 $0x9;
	_ =	strace $0x80000048  }
0xbd: {  	_ =	swait.ge [sflag:s29], $0x1  }
0xbe: {  	[sflag:s29] =	ssyncadd.s32 $0xFFFFFFFF  }
0xbf: {  	_ =	strace $0x90000048  }
0xc0: {  	_ =	sfence  }
0xc1: {  	s30 =	sld [smem:$0x0];
	_ =	sdelay $0x2  }
0xc2: {  	s31 =	sshll.u32 s1, $0xD;
	s1 =	sshrl.u32 s1, $0x2  }
0xc3: {  	s3 =	sand.u32 $0x4000, s31;
	s1 =	sadd.s32 s1, s30  }
0xc4: {  	s0 =	sor.u32 s3, s0;
	s1 =	sshll.u32 s1, $0x11  }
0xc5: {  	s0 =	sor.u32 s1, s0  }
0xc6: {  	s0 =	sadd.s32 $0x8F2B, s0  }
0xc7: {  	[sflag:s0] =	ssyncadd.remote.s32 $0x1  }
0xc8: {  	_ =	sfence.sel $0xFFFF  }
0xc9: {  	[dreg:$0x0] =	wrdreg $0xFFFFFFFF;
	(pc) =	sbr.abs _section_cstart, $3  }
0xca: {  	[dreg:$0x1] =	wrdreg $0xFFFFFFFF  }
0xcb: {  	_ =	task.clear_ibuf [dreg:s10], $0x2FFFF;
	_ =	strace $0x9FFFFFFF  }
0xcc: {  	(tm) =	ssettm $0x7FFFFFFF  }
0xcd: {  	_ =	shalt  }
tec
execute0_lowered:
.L_overlay_start_1:
0x0: {  	(tag) =	ssettag $0x1  }
0x1: {  	s12 =	rddreg [dreg:$0x0]  }
0x2: {  	s1 =	rddreg [dreg:$0x1]  }
0x3: {  	s4 =	rddreg [dreg:$0x2];
	s2 =	srdreg.scid  }
0x4: {  	s23 =	rddreg [dreg:$0x3];
	s0 =	stileid.u32;
	s25 =	sand.u32 $0x1, s2  }
0x5: {  	s24 =	rddreg [dreg:$0x4];
	s5 =	sshll.u32 s0, $0xA;
	s6 =	sshll.u32 s25, $0x9  }
0x6: {  	s3 =	simm.s32 $0x0;
	s2 =	rddreg [dreg:$0x5];
	s28 =	sor.u32 s6, s5  }
0x7: {  	[smem:$0x7FF] =	sst s3;
	s26 =	sshrl.u32 s28, $0x3  }
0x8: {  	_ =	strace $0x80000047;
	s5 =	sadd.s32 s4, s26;
	s4 =	simm.s32 $0x3  }
0x9: {  	[tilespmem:s3], [sflag:$0x3] =	stream.linear.gather [hbm4b:s5+s3], $0x80, $0x38;
	[tilespmem:$0x8400] =	vst v63  }
0xa: {  	_ =	swait.ge [sflag:s4], $0x80  }
0xb: {  	[sflag:s4] =	ssyncset.done $0x0  }
0xc: {  	s7 =	simm.s32 $0x80;
	s6 =	sadd.s32 $0x10, s5;
	[sflag:s4] =	ssyncadd.s32 $0xFFFFFF80  }
0xd: {  	[tilespmem:s7], [sflag:$0x3] =	stream.linear.gather [hbm4b:s6+s3], $0x80, $0x38;
	[tilespmem:$0x8400] =	vst v63  }
0xe: {  	_ =	swait.ge [sflag:s4], $0x80  }
0xf: {  	[sflag:s4] =	ssyncset.done $0x0  }
0x10: {  	s9 =	simm.s32 $0x100;
	s8 =	sadd.s32 $0x20, s5;
	[sflag:s4] =	ssyncadd.s32 $0xFFFFFF80  }
0x11: {  	[tilespmem:s9], [sflag:$0x3] =	stream.linear.gather [hbm4b:s8+s3], $0x80, $0x38;
	[tilespmem:$0x8400] =	vst v63  }
0x12: {  	_ =	swait.ge [sflag:s4], $0x80  }
0x13: {  	[sflag:s4] =	ssyncset.done $0x0  }
0x14: {  	s11 =	simm.s32 $0x180;
	s10 =	sadd.s32 $0x30, s5;
	[sflag:s4] =	ssyncadd.s32 $0xFFFFFF80  }
0x15: {  	[tilespmem:s11], [sflag:$0x3] =	stream.linear.gather [hbm4b:s10+s3], $0x80, $0x38;
	[tilespmem:$0x8400] =	vst v63  }
0x16: {  	_ =	swait.ge [sflag:s4], $0x80  }
0x17: {  	[sflag:s4] =	ssyncset.done $0x0  }
0x18: {  	s13 =	simm.s32 $0x200;
	s12 =	sadd.s32 $0xF42C00, s12;
	[sflag:s4] =	ssyncadd.s32 $0xFFFFFF80  }
0x19: {  	[tilespmem:s13], [sflag:$0x1] =	stream.indirect.gather [hbm4b:s12+s7], $0x40, s3, s7, $0xb8;
	[tilespmem:$0x8400] =	vst v63  }
0x1a: {  	s14 =	simm.s32 $0x8200  }
0x1b: {  	[tilespmem:s14], [sflag:$0x2] =	stream.indirect.gather [hbm4b:s1+s7], $0x1, s3, s7, $0xb8;
	[tilespmem:$0x8400] =	vst v63  }
0x1c: {  	s15 =	simm.s32 $0x2200  }
0x1d: {  	[tilespmem:s15], [sflag:$0x1] =	stream.indirect.gather [hbm4b:s12+s7], $0x40, s7, s7, $0xb8;
	[tilespmem:$0x8400] =	vst v63  }
0x1e: {  	s16 =	simm.s32 $0x8280  }
0x1f: {  	[tilespmem:s16], [sflag:$0x2] =	stream.indirect.gather [hbm4b:s1+s7], $0x1, s7, s7, $0xb8;
	[tilespmem:$0x8400] =	vst v63  }
0x20: {  	s17 =	simm.s32 $0x4200  }
0x21: {  	[tilespmem:s17], [sflag:$0x1] =	stream.indirect.gather [hbm4b:s12+s7], $0x40, s9, s7, $0xb8;
	[tilespmem:$0x8400] =	vst v63  }
0x22: {  	s18 =	simm.s32 $0x8300  }
0x23: {  	[tilespmem:s18], [sflag:$0x2] =	stream.indirect.gather [hbm4b:s1+s7], $0x1, s9, s7, $0xb8;
	[tilespmem:$0x8400] =	vst v63  }
0x24: {  	s19 =	simm.s32 $0x6200  }
0x25: {  	[tilespmem:s19], [sflag:$0x1] =	stream.indirect.gather [hbm4b:s12+s7], $0x40, s11, s7, $0xb8;
	[tilespmem:$0x8400] =	vst v63  }
0x26: {  	s20 =	simm.s32 $0x8380;
	s21 =	simm.s32 $0x1  }
0x27: {  	[tilespmem:s20], [sflag:$0x2] =	stream.indirect.gather [hbm4b:s1+s7], $0x1, s11, s7, $0xb8;
	[tilespmem:$0x8400] =	vst v63  }
0x28: {  	_ =	swait.ge [sflag:s21], $0x2000  }
0x29: {  	[sflag:s21] =	ssyncset.done $0x0  }
0x2a: {  	s22 =	simm.s32 $0x2;
	[sflag:s21] =	ssyncadd.s32 $0xFFFFE000  }
0x2b: {  	_ =	swait.ge [sflag:s22], $0x80  }
0x2c: {  	[sflag:s22] =	ssyncset.done $0x0  }
0x2d: {  	[sflag:s22] =	ssyncadd.s32 $0xFFFFFF80  }
0x2e: {  	_ =	swait.ge [sflag:s21], $0x2000  }
0x2f: {  	[sflag:s21] =	ssyncset.done $0x0  }
0x30: {  	[sflag:s21] =	ssyncadd.s32 $0xFFFFE000  }
0x31: {  	_ =	swait.ge [sflag:s22], $0x80  }
0x32: {  	[sflag:s22] =	ssyncset.done $0x0  }
0x33: {  	[sflag:s22] =	ssyncadd.s32 $0xFFFFFF80  }
0x34: {  	_ =	swait.ge [sflag:s21], $0x2000  }
0x35: {  	[sflag:s21] =	ssyncset.done $0x0  }
0x36: {  	[sflag:s21] =	ssyncadd.s32 $0xFFFFE000  }
0x37: {  	_ =	swait.ge [sflag:s22], $0x80  }
0x38: {  	[sflag:s22] =	ssyncset.done $0x0  }
0x39: {  	[sflag:s22] =	ssyncadd.s32 $0xFFFFFF80  }
0x3a: {  	_ =	swait.ge [sflag:s21], $0x2000  }
0x3b: {  	[sflag:s21] =	ssyncset.done $0x0  }
0x3c: {  	s25 =	ssub.s32 $0x2, s25;
	[sflag:s21] =	ssyncadd.s32 $0xFFFFE000  }
0x3d: {  	s31 =	sshrl.u32 s25, $0x1;
	_ =	swait.ge [sflag:s22], $0x80  }
0x3e: {  	s28 =	sshll.u32 s28, $0x3;
	s25 =	ssub.s32 s25, s31;
	[sflag:s22] =	ssyncset.done $0x0  }
0x3f: {  	s23 =	sadd.s32 s23, s28;
	s25 =	smax.u32 s25, $0x1;
	[sflag:s22] =	ssyncadd.s32 $0xFFFFFF80  }
0x40: {  	[hbm4b:s23+s3] =	stream.linear.scatter [tilespmem:s13], [sflag:$0x3], $0x8000, $0x38;
	[tilespmem:$0x8400] =	vst v63  }
0x41: {  	p0 =	sne.s32 s25, $0x1;
	_ =	swait.ge [sflag:s4], $0x8000  }
.Ltmp0:
0x42: {  	[sflag:s4] =	ssyncset.done $0x0;
	(pc) =	sbr.rel @!p0 .LBB2_2-.Ltmp0, $4  }
0x43: {  	s24 =	sadd.s32 s24, s26;
	[sflag:s4] =	ssyncadd.s32 $0xFFFF8000  }
0x44: {  	[hbm4b:s24+s3] =	stream.linear.scatter [tilespmem:s14], [sflag:$0x3], $0x200, $0x38;
	[tilespmem:$0x8400] =	vst v63  }
0x45: {  	_ =	swait.ge [sflag:s4], $0x200  }
0x46: {  	s25 =	sadd.s32 $0xFFFFFFFF, s25;
	[sflag:s4] =	ssyncset.done $0x0  }
.LBB2_1:
0x47: {  	p0 =	sne.s32 s25, $0x1;
	s25 =	sadd.s32 $0xFFFFFFFF, s25;
	[sflag:s4] =	ssyncadd.s32 $0xFFFFFE00  }
0x48: {  	[tilespmem:s3], [sflag:$0x3] =	stream.linear.gather [hbm4b:s5+s3], $0x80, $0x38;
	[tilespmem:$0x8400] =	vst v63  }
0x49: {  	_ =	swait.ge [sflag:s4], $0x80  }
0x4a: {  	[sflag:s4] =	ssyncset.done $0x0  }
0x4b: {  	[sflag:s4] =	ssyncadd.s32 $0xFFFFFF80  }
0x4c: {  	[tilespmem:s7], [sflag:$0x3] =	stream.linear.gather [hbm4b:s6+s3], $0x80, $0x38;
	[tilespmem:$0x8400] =	vst v63  }
0x4d: {  	_ =	swait.ge [sflag:s4], $0x80  }
0x4e: {  	[sflag:s4] =	ssyncset.done $0x0  }
0x4f: {  	[sflag:s4] =	ssyncadd.s32 $0xFFFFFF80  }
0x50: {  	[tilespmem:s9], [sflag:$0x3] =	stream.linear.gather [hbm4b:s8+s3], $0x80, $0x38;
	[tilespmem:$0x8400] =	vst v63  }
0x51: {  	_ =	swait.ge [sflag:s4], $0x80  }
0x52: {  	[sflag:s4] =	ssyncset.done $0x0  }
0x53: {  	[sflag:s4] =	ssyncadd.s32 $0xFFFFFF80  }
0x54: {  	[tilespmem:s11], [sflag:$0x3] =	stream.linear.gather [hbm4b:s10+s3], $0x80, $0x38;
	[tilespmem:$0x8400] =	vst v63  }
0x55: {  	_ =	swait.ge [sflag:s4], $0x80  }
0x56: {  	[sflag:s4] =	ssyncset.done $0x0  }
0x57: {  	[sflag:s4] =	ssyncadd.s32 $0xFFFFFF80  }
0x58: {  	[tilespmem:s13], [sflag:$0x1] =	stream.indirect.gather [hbm4b:s12+s7], $0x40, s3, s7, $0xb8;
	[tilespmem:$0x8400] =	vst v63  }
0x59: {  	_ = 	snop  }
0x5a: {  	[tilespmem:s14], [sflag:$0x2] =	stream.indirect.gather [hbm4b:s1+s7], $0x1, s3, s7, $0xb8;
	[tilespmem:$0x8400] =	vst v63  }
0x5b: {  	_ = 	snop  }
0x5c: {  	[tilespmem:s15], [sflag:$0x1] =	stream.indirect.gather [hbm4b:s12+s7], $0x40, s7, s7, $0xb8;
	[tilespmem:$0x8400] =	vst v63  }
0x5d: {  	_ = 	snop  }
0x5e: {  	[tilespmem:s16], [sflag:$0x2] =	stream.indirect.gather [hbm4b:s1+s7], $0x1, s7, s7, $0xb8;
	[tilespmem:$0x8400] =	vst v63  }
0x5f: {  	_ = 	snop  }
0x60: {  	[tilespmem:s17], [sflag:$0x1] =	stream.indirect.gather [hbm4b:s12+s7], $0x40, s9, s7, $0xb8;
	[tilespmem:$0x8400] =	vst v63  }
0x61: {  	_ = 	snop  }
0x62: {  	[tilespmem:s18], [sflag:$0x2] =	stream.indirect.gather [hbm4b:s1+s7], $0x1, s9, s7, $0xb8;
	[tilespmem:$0x8400] =	vst v63  }
0x63: {  	_ = 	snop  }
0x64: {  	[tilespmem:s19], [sflag:$0x1] =	stream.indirect.gather [hbm4b:s12+s7], $0x40, s11, s7, $0xb8;
	[tilespmem:$0x8400] =	vst v63  }
0x65: {  	_ = 	snop  }
0x66: {  	[tilespmem:s20], [sflag:$0x2] =	stream.indirect.gather [hbm4b:s1+s7], $0x1, s11, s7, $0xb8;
	[tilespmem:$0x8400] =	vst v63  }
0x67: {  	_ =	swait.ge [sflag:s21], $0x2000  }
0x68: {  	[sflag:s21] =	ssyncset.done $0x0  }
0x69: {  	[sflag:s21] =	ssyncadd.s32 $0xFFFFE000  }
0x6a: {  	_ =	swait.ge [sflag:s22], $0x80  }
0x6b: {  	[sflag:s22] =	ssyncset.done $0x0  }
0x6c: {  	[sflag:s22] =	ssyncadd.s32 $0xFFFFFF80  }
0x6d: {  	_ =	swait.ge [sflag:s21], $0x2000  }
0x6e: {  	[sflag:s21] =	ssyncset.done $0x0  }
0x6f: {  	[sflag:s21] =	ssyncadd.s32 $0xFFFFE000  }
0x70: {  	_ =	swait.ge [sflag:s22], $0x80  }
0x71: {  	[sflag:s22] =	ssyncset.done $0x0  }
0x72: {  	[sflag:s22] =	ssyncadd.s32 $0xFFFFFF80  }
0x73: {  	_ =	swait.ge [sflag:s21], $0x2000  }
0x74: {  	[sflag:s21] =	ssyncset.done $0x0  }
0x75: {  	[sflag:s21] =	ssyncadd.s32 $0xFFFFE000  }
0x76: {  	_ =	swait.ge [sflag:s22], $0x80  }
0x77: {  	[sflag:s22] =	ssyncset.done $0x0  }
0x78: {  	[sflag:s22] =	ssyncadd.s32 $0xFFFFFF80  }
0x79: {  	_ =	swait.ge [sflag:s21], $0x2000  }
0x7a: {  	[sflag:s21] =	ssyncset.done $0x0  }
0x7b: {  	[sflag:s21] =	ssyncadd.s32 $0xFFFFE000  }
0x7c: {  	_ =	swait.ge [sflag:s22], $0x80  }
0x7d: {  	[sflag:s22] =	ssyncset.done $0x0  }
0x7e: {  	[sflag:s22] =	ssyncadd.s32 $0xFFFFFF80  }
0x7f: {  	[hbm4b:s23+s3] =	stream.linear.scatter [tilespmem:s13], [sflag:$0x3], $0x8000, $0x38;
	[tilespmem:$0x8400] =	vst v63  }
0x80: {  	_ =	swait.ge [sflag:s4], $0x8000  }
.Ltmp1:
0x81: {  	[sflag:s4] =	ssyncset.done $0x0;
	(pc) =	sbr.rel @p0 .LBB2_1-.Ltmp1, $4  }
0x82: {  	[sflag:s4] =	ssyncadd.s32 $0xFFFF8000  }
0x83: {  	[hbm4b:s24+s3] =	stream.linear.scatter [tilespmem:s14], [sflag:$0x3], $0x200, $0x38;
	[tilespmem:$0x8400] =	vst v63  }
0x84: {  	_ =	swait.ge [sflag:s4], $0x200  }
0x85: {  	[sflag:s4] =	ssyncset.done $0x0  }
.LBB2_2:
0x86: {  	[sflag:s4] =	ssyncadd.s32 $0xFFFFFE00  }
0x87: {  	_ =	sfence.sel $0x180000  }
0x88: {  	[bflag:$0x0] =	sbarrier.arrive $0xFFFF  }
0x89: {  	p0 =	sne.s32 s0, $0x0;
	_ =	strace $0x90000047  }
0x8a: {  	s0 =	sadd.s32 @!p0 $0x100000, s2;
	[bflag:$0x2] =	sbarrier.arrive $0xFFFF  }
0x8b: {  	[sflag:s0] =	ssyncadd.tile.s32 @!p0 $0x1;
	_ =	shalt  }
.Lfunc_end2:
_tile_overlayer_lowered:
.L_overlay_start_2:
0x8c: {  	(tag) =	ssettag $0x2  }
0x8d: {  	s0 =	rddreg [dreg:$0x0];
	s2 =	stileid.u32  }
0x8e: {  	s1 =	rddreg [dreg:$0x1];
	p0 =	sne.s32 s2, $0x0  }
0x8f: {  	s3 =	rddreg [dreg:$0x2];
	[bflag:$0x3] =	sbarrier.arrive $0xFFFF;
	s2 =	simm.s32 @!p0 $0x1C03  }
0x90: {  	[timem:s3], [sflag:s2] =	dma.local @!p0 [hbm:s0], s1  }
0x91: {  	s0 =	simm.s32 @!p0 $0x3  }
0x92: {  	_ =	swait.ge @!p0 [sflag:s0], s1  }
0x93: {  	s1 =	ssub.s32 @!p0 $0x0, s1;
	[sflag:s0] =	ssyncset.done @!p0 $0x0  }
0x94: {  	[sflag:s0] =	ssyncadd.s32 @!p0 s1  }
0x95: {  	[bflag:$0x3] =	sbarrier.arrive $0xFFFF  }
0x96: {  	_ =	shalt  }

</sc_bundles>
